<compile_context>
chip_gen: v7x
topology: tpu7x:2x2x1
jax: 0.10.2.dev20260603
libtpu: 0.0.44.dev20260713+nightly
codegen_flags: <defaults>
</compile_context>

<pallas_src>
import functools

import jax
import jax.numpy as jnp
from jax import lax
from jax.experimental import pallas as pl
from jax.experimental.pallas import tpu as pltpu
from jax.experimental.pallas import tpu_sc as plsc

_B, _L, _ZD = 16, 196, 256
_K = 1024
_H = 1024
_OD = 768
_N = _B * _L
_LT = 49
_R = _LT * _B
_GRID = _L // _LT
_NC, _NS = 2, 16
_NW = _NC * _NS
_CHUNK = 96


def _argmin_body(x_ref, embd_ref, idx_ref, et_ref, t2h_ref):
    embd = embd_ref[...]
    et = embd.T
    et_ref[...] = et.astype(jnp.bfloat16)
    t2h_ref[...] = 0.5 * jnp.sum(et * et, axis=0, keepdims=True)
    dims = (((1,), (0,)), ((), ()))
    x = x_ref[...].reshape(_N, _ZD)
    parts = []
    for c in range(4):
        xc = x[c * _R:(c + 1) * _R]
        cross = jax.lax.dot_general(
            xc.astype(jnp.bfloat16), et_ref[...], dims,
            preferred_element_type=jnp.float32)
        score = t2h_ref[...] - cross
        parts.append(jnp.argmin(score, axis=1))
    idx_ref[...] = jnp.concatenate(parts, 0)


def _mlp_body(z_ref, w1_ref, b1_ref, w2_ref, b2_ref, out_ref,
              w1s_ref, w2s_ref):
    @pl.when(pl.program_id(0) == 0)
    def _prep():
        w1s_ref[...] = w1_ref[...].astype(jnp.bfloat16)
        w2s_ref[...] = w2_ref[...].astype(jnp.bfloat16)

    dims = (((1,), (0,)), ((), ()))
    z = z_ref[...].reshape(_R, _ZD)
    h = jax.lax.dot_general(
        z.astype(jnp.bfloat16), w1s_ref[...], dims,
        preferred_element_type=jnp.float32) + b1_ref[...]
    h = jnp.maximum(h, 0.1 * h)
    out = jax.lax.dot_general(
        h.astype(jnp.bfloat16), w2s_ref[...], dims,
        preferred_element_type=jnp.float32) + b2_ref[...]
    out_ref[...] = out.reshape(_LT, _B, _OD)


@functools.partial(
    pl.kernel,
    mesh=plsc.VectorSubcoreMesh(core_axis_name="c", subcore_axis_name="s"),
    out_type=jax.ShapeDtypeStruct((_N, _ZD), jnp.float32),
    scratch_types=[
        pltpu.VMEM((_CHUNK,), jnp.int32),
        pltpu.VMEM((_CHUNK, _ZD), jnp.float32),
        pltpu.VMEM((160,), jnp.int32),
        pltpu.VMEM((160, _ZD), jnp.float32),
        pltpu.SemaphoreType.DMA,
    ],
)
def _sc_gather(embd_hbm, idx_hbm, out_hbm,
               idx_v, rows_v, idx_t, rows_t, sem):
    w = lax.axis_index("s") * _NC + lax.axis_index("c")
    base = w * _CHUNK

    @pl.when(w < _NW - 1)
    def _main():
        pltpu.sync_copy(idx_hbm.at[pl.ds(base, _CHUNK)], idx_v)
        pltpu.async_copy(embd_hbm.at[idx_v], rows_v, sem).wait()
        pltpu.sync_copy(rows_v, out_hbm.at[pl.ds(base, _CHUNK)])

    @pl.when(w == _NW - 1)
    def _tail():
        pltpu.sync_copy(idx_hbm.at[pl.ds(base, 160)], idx_t)
        pltpu.async_copy(embd_hbm.at[idx_t], rows_t, sem).wait()
        pltpu.sync_copy(rows_t, out_hbm.at[pl.ds(base, 160)])


@jax.jit
def kernel(X, embd, W1, b1, W2, b2):
    xt = jnp.transpose(X, (1, 0, 2))
    idx = pl.pallas_call(
        _argmin_body,
        grid=(1,),
        in_specs=[
            pl.BlockSpec((_L, _B, _ZD), lambda i: (0, 0, 0)),
            pl.BlockSpec((_K, _ZD), lambda i: (0, 0)),
        ],
        out_specs=pl.BlockSpec((_N,), lambda i: (0,)),
        out_shape=jax.ShapeDtypeStruct((_N,), jnp.int32),
        scratch_shapes=[
            pltpu.VMEM((_ZD, _K), jnp.bfloat16),
            pltpu.VMEM((1, _K), jnp.float32),
        ],
    )(xt, embd)
    zflat = _sc_gather(embd, idx)
    zt = zflat.reshape(_L, _B, _ZD)
    out_t = pl.pallas_call(
        _mlp_body,
        grid=(_GRID,),
        in_specs=[
            pl.BlockSpec((_LT, _B, _ZD), lambda i: (i, 0, 0)),
            pl.BlockSpec((_ZD, _H), lambda i: (0, 0)),
            pl.BlockSpec((1, _H), lambda i: (0, 0)),
            pl.BlockSpec((_H, _OD), lambda i: (0, 0)),
            pl.BlockSpec((1, _OD), lambda i: (0, 0)),
        ],
        out_specs=pl.BlockSpec((_LT, _B, _OD), lambda i: (i, 0, 0)),
        out_shape=jax.ShapeDtypeStruct((_L, _B, _OD), jnp.float32),
        scratch_shapes=[
            pltpu.VMEM((_ZD, _H), jnp.bfloat16),
            pltpu.VMEM((_H, _OD), jnp.bfloat16),
        ],
    )(zt, W1, b1.reshape(1, _H), W2, b2.reshape(1, _OD))
    out = jnp.transpose(out_t, (1, 0, 2))
    zemb = jnp.transpose(zt, (1, 0, 2))
    return (out, X, zemb)

# --- scband reference (transcript-rebuilt; emitter-appended) ---
"""Pipeline reference for scband-vqvae-68874095558703 (READ-ONLY COPY).

The authoritative reference and input builder live on the scoring server;
editing this copy changes nothing except your own understanding.
"""

import jax, jax.numpy as jnp
import numpy as np

B, L, Z_DIM = 16, 196, 256
K_DIM = 1024
HIDDEN_DIM = 1024
INPUT_DIM = 768


def setup_inputs(seed: int = 0) -> dict:
    key = jax.random.key(seed)
    k1, k2, k3, k4 = jax.random.split(key, 4)
    X = jax.random.normal(k1, (B, L, Z_DIM), dtype=jnp.float32)
    # pretrain_category_weight: codebook [k_dim, z_dim]
    embd = jax.random.normal(k2, (K_DIM, Z_DIM), dtype=jnp.float32)
    # decode: Linear(z_dim, hidden) -> LeakyReLU(0.1) -> Linear(hidden, input_dim)
    W1 = jax.random.normal(k3, (Z_DIM, HIDDEN_DIM), dtype=jnp.float32) * 0.05
    b1 = jnp.zeros((HIDDEN_DIM,), dtype=jnp.float32)
    W2 = jax.random.normal(k4, (HIDDEN_DIM, INPUT_DIM), dtype=jnp.float32) * 0.05
    b2 = jnp.zeros((INPUT_DIM,), dtype=jnp.float32)
    return {"X": X, "embd": embd, "W1": W1, "b1": b1, "W2": W2, "b2": b2}


def find_nearest(query, target):
    # Faithful to torch: argmin over euclidean distance ||q - t||; argmin of
    # sqrt(d2) == argmin of d2, computed via the expanded quadratic form to
    # avoid materializing the [B, L, K, d] repeat tensor of the torch code.
    q2 = jnp.sum(query * query, axis=-1, keepdims=True)          # [B, L, 1]
    t2 = jnp.sum(target * target, axis=-1)                        # [K]
    cross = jnp.einsum('bld,kd->blk', query, target)              # [B, L, K]
    d2 = q2 - 2.0 * cross + t2[None, None, :]
    index = jnp.argmin(d2, axis=2)                                # [B, L]
    return target[index]                                          # gather


def reference(X, embd, W1, b1, W2, b2):
    Z_enc = X
    Z_emb = find_nearest(Z_enc, embd)
    h = Z_emb @ W1 + b1
    h = jnp.where(h >= 0, h, 0.1 * h)  # LeakyReLU(0.1)
    Z_recon = h @ W2 + b2
    return (Z_recon, Z_enc, Z_emb)

if __name__ == "__main__":
    import jax
    _d = setup_inputs()
    print(jax.jit(kernel)(*tuple(_d.values())))

</pallas_src>

<mosaic_0001>
#map = affine_map<(d0, d1) -> (0, 0)>
#map1 = affine_map<(d0, d1) -> (0)>
module attributes {stable_mosaic.version = 14 : i64} {
  func.func @_sc_gather(%arg0: i32, %arg1: i32, %arg2: memref<1024x256xf32, #tpu.memory_space<hbm>>, %arg3: memref<3136xi32, #tpu.memory_space<hbm>>, %arg4: memref<3136x256xf32, #tpu.memory_space<hbm>>, %arg5: memref<96xi32, #tpu.memory_space<vmem>>, %arg6: memref<96x256xf32, #tpu.memory_space<vmem>>, %arg7: memref<160xi32, #tpu.memory_space<vmem>>, %arg8: memref<160x256xf32, #tpu.memory_space<vmem>>, %arg9: memref<!tpu.dma_semaphore, #tpu.memory_space<semaphore_mem>>) attributes {dimension_semantics = [#tpu.dimension_semantics<core_parallel>, #tpu.dimension_semantics<subcore_parallel>], iteration_bounds = array<i64: 2, 16>, scalar_prefetch = 0 : i64, scratch_operands = 5 : i64, tpu.core_type = #tpu.core_type<sc_vector_subcore>, window_params = [{transform_indices = #map}, {transform_indices = #map1}, {transform_indices = #map}]} {
    %mul3A = arith.constant 2 : i32
    %mul3A_0 = arith.muli %arg1, %mul3A : i32
    %add3A = arith.addi %mul3A_0, %arg0 : i32
    %mul3A_1 = arith.constant 96 : i32
    %mul3A_2 = arith.muli %add3A, %mul3A_1 : i32
    %lt3A = arith.constant 31 : i32
    %lt3A_3 = arith.cmpi slt, %add3A, %lt3A : i32
    %convert_element_type3A = arith.extui %lt3A_3 : i1 to i32
    %cond3A = arith.constant 0 : i32
    %cond3A_4 = arith.cmpi ne, %convert_element_type3A, %cond3A : i32
    scf.if %cond3A_4 {
      "tpu.region"() ({
        %run_scoped3A = tpu.sem_alloc : memref<!tpu.dma_semaphore, #tpu.memory_space<semaphore_mem>>
        %dma_start3A_13 = tpu.memref_slice %arg3[%mul3A_2] : memref<3136xi32, #tpu.memory_space<hbm>> -> memref<96xi32, #tpu.memory_space<hbm>>
        %dma_start3A_14 = tpu.memref_slice %arg3[%mul3A_2] : memref<3136xi32, #tpu.memory_space<hbm>> -> memref<96xi32, #tpu.memory_space<hbm>>
        tpu.enqueue_dma source(%dma_start3A_14 : memref<96xi32, #tpu.memory_space<hbm>>) target(%arg5 : memref<96xi32, #tpu.memory_space<vmem>>) target_semaphore(%run_scoped3A : memref<!tpu.dma_semaphore, #tpu.memory_space<semaphore_mem>>)
        %dma_wait3A_15 = tpu.memref_slice %arg3[%mul3A_2] : memref<3136xi32, #tpu.memory_space<hbm>> -> memref<96xi32, #tpu.memory_space<hbm>>
        %dma_wait3A_16 = tpu.memref_slice %arg3[%mul3A_2] : memref<3136xi32, #tpu.memory_space<hbm>> -> memref<96xi32, #tpu.memory_space<hbm>>
        tpu.wait_dma2 semaphore(%run_scoped3A : memref<!tpu.dma_semaphore, #tpu.memory_space<semaphore_mem>>) src(%dma_wait3A_16 : memref<96xi32, #tpu.memory_space<hbm>>) dst(%arg5 : memref<96xi32, #tpu.memory_space<vmem>>)
        tpu.yield
      }) : () -> ()
      %dma_start3A = arith.constant 0 : i32
      %dma_start3A_9 = arith.constant 0 : i32
      %dma_start3A_10 = tpu.memref_slice %arg2[%dma_start3A, %dma_start3A_9] : memref<1024x256xf32, #tpu.memory_space<hbm>> -> memref<1024x256xf32, #tpu.memory_space<hbm>>
      tpu.enqueue_indirect_dma source(%dma_start3A_10 : memref<1024x256xf32, #tpu.memory_space<hbm>>) target(%arg6 : memref<96x256xf32, #tpu.memory_space<vmem>>) offsets(%arg5 : memref<96xi32, #tpu.memory_space<vmem>>) semaphore(%arg9 : memref<!tpu.dma_semaphore, #tpu.memory_space<semaphore_mem>>)
      %dma_wait3A = arith.constant 0 : i32
      %dma_wait3A_11 = arith.constant 0 : i32
      %dma_wait3A_12 = tpu.memref_slice %arg2[%dma_wait3A, %dma_wait3A_11] : memref<1024x256xf32, #tpu.memory_space<hbm>> -> memref<1024x256xf32, #tpu.memory_space<hbm>>
      tpu.wait_indirect_dma semaphore(%arg9 : memref<!tpu.dma_semaphore, #tpu.memory_space<semaphore_mem>>) src(%dma_wait3A_12 : memref<1024x256xf32, #tpu.memory_space<hbm>>) dst(%arg6 : memref<96x256xf32, #tpu.memory_space<vmem>>)
      "tpu.region"() ({
        %run_scoped3A = tpu.sem_alloc : memref<!tpu.dma_semaphore, #tpu.memory_space<semaphore_mem>>
        %dma_start3A_13 = arith.constant 0 : i32
        %dma_start3A_14 = tpu.memref_slice %arg4[%mul3A_2, %dma_start3A_13] : memref<3136x256xf32, #tpu.memory_space<hbm>> -> memref<96x256xf32, #tpu.memory_space<hbm>>
        %dma_start3A_15 = arith.constant 0 : i32
        %dma_start3A_16 = tpu.memref_slice %arg4[%mul3A_2, %dma_start3A_15] : memref<3136x256xf32, #tpu.memory_space<hbm>> -> memref<96x256xf32, #tpu.memory_space<hbm>>
        tpu.enqueue_dma source(%arg6 : memref<96x256xf32, #tpu.memory_space<vmem>>) target(%dma_start3A_16 : memref<96x256xf32, #tpu.memory_space<hbm>>) target_semaphore(%run_scoped3A : memref<!tpu.dma_semaphore, #tpu.memory_space<semaphore_mem>>)
        %dma_wait3A_17 = arith.constant 0 : i32
        %dma_wait3A_18 = tpu.memref_slice %arg4[%mul3A_2, %dma_wait3A_17] : memref<3136x256xf32, #tpu.memory_space<hbm>> -> memref<96x256xf32, #tpu.memory_space<hbm>>
        %dma_wait3A_19 = arith.constant 0 : i32
        %dma_wait3A_20 = tpu.memref_slice %arg4[%mul3A_2, %dma_wait3A_19] : memref<3136x256xf32, #tpu.memory_space<hbm>> -> memref<96x256xf32, #tpu.memory_space<hbm>>
        tpu.wait_dma2 semaphore(%run_scoped3A : memref<!tpu.dma_semaphore, #tpu.memory_space<semaphore_mem>>) src(%arg6 : memref<96x256xf32, #tpu.memory_space<vmem>>) dst(%dma_wait3A_20 : memref<96x256xf32, #tpu.memory_space<hbm>>)
        tpu.yield
      }) : () -> ()
    } else {
    }
    %eq3A = arith.constant 31 : i32
    %eq3A_5 = arith.cmpi eq, %add3A, %eq3A : i32
    %convert_element_type3A_6 = arith.extui %eq3A_5 : i1 to i32
    %cond3A_7 = arith.constant 0 : i32
    %cond3A_8 = arith.cmpi ne, %convert_element_type3A_6, %cond3A_7 : i32
    scf.if %cond3A_8 {
      "tpu.region"() ({
        %run_scoped3A = tpu.sem_alloc : memref<!tpu.dma_semaphore, #tpu.memory_space<semaphore_mem>>
        %dma_start3A_13 = tpu.memref_slice %arg3[%mul3A_2] : memref<3136xi32, #tpu.memory_space<hbm>> -> memref<160xi32, #tpu.memory_space<hbm>>
        %dma_start3A_14 = tpu.memref_slice %arg3[%mul3A_2] : memref<3136xi32, #tpu.memory_space<hbm>> -> memref<160xi32, #tpu.memory_space<hbm>>
        tpu.enqueue_dma source(%dma_start3A_14 : memref<160xi32, #tpu.memory_space<hbm>>) target(%arg7 : memref<160xi32, #tpu.memory_space<vmem>>) target_semaphore(%run_scoped3A : memref<!tpu.dma_semaphore, #tpu.memory_space<semaphore_mem>>)
        %dma_wait3A_15 = tpu.memref_slice %arg3[%mul3A_2] : memref<3136xi32, #tpu.memory_space<hbm>> -> memref<160xi32, #tpu.memory_space<hbm>>
        %dma_wait3A_16 = tpu.memref_slice %arg3[%mul3A_2] : memref<3136xi32, #tpu.memory_space<hbm>> -> memref<160xi32, #tpu.memory_space<hbm>>
        tpu.wait_dma2 semaphore(%run_scoped3A : memref<!tpu.dma_semaphore, #tpu.memory_space<semaphore_mem>>) src(%dma_wait3A_16 : memref<160xi32, #tpu.memory_space<hbm>>) dst(%arg7 : memref<160xi32, #tpu.memory_space<vmem>>)
        tpu.yield
      }) : () -> ()
      %dma_start3A = arith.constant 0 : i32
      %dma_start3A_9 = arith.constant 0 : i32
      %dma_start3A_10 = tpu.memref_slice %arg2[%dma_start3A, %dma_start3A_9] : memref<1024x256xf32, #tpu.memory_space<hbm>> -> memref<1024x256xf32, #tpu.memory_space<hbm>>
      tpu.enqueue_indirect_dma source(%dma_start3A_10 : memref<1024x256xf32, #tpu.memory_space<hbm>>) target(%arg8 : memref<160x256xf32, #tpu.memory_space<vmem>>) offsets(%arg7 : memref<160xi32, #tpu.memory_space<vmem>>) semaphore(%arg9 : memref<!tpu.dma_semaphore, #tpu.memory_space<semaphore_mem>>)
      %dma_wait3A = arith.constant 0 : i32
      %dma_wait3A_11 = arith.constant 0 : i32
      %dma_wait3A_12 = tpu.memref_slice %arg2[%dma_wait3A, %dma_wait3A_11] : memref<1024x256xf32, #tpu.memory_space<hbm>> -> memref<1024x256xf32, #tpu.memory_space<hbm>>
      tpu.wait_indirect_dma semaphore(%arg9 : memref<!tpu.dma_semaphore, #tpu.memory_space<semaphore_mem>>) src(%dma_wait3A_12 : memref<1024x256xf32, #tpu.memory_space<hbm>>) dst(%arg8 : memref<160x256xf32, #tpu.memory_space<vmem>>)
      "tpu.region"() ({
        %run_scoped3A = tpu.sem_alloc : memref<!tpu.dma_semaphore, #tpu.memory_space<semaphore_mem>>
        %dma_start3A_13 = arith.constant 0 : i32
        %dma_start3A_14 = tpu.memref_slice %arg4[%mul3A_2, %dma_start3A_13] : memref<3136x256xf32, #tpu.memory_space<hbm>> -> memref<160x256xf32, #tpu.memory_space<hbm>>
        %dma_start3A_15 = arith.constant 0 : i32
        %dma_start3A_16 = tpu.memref_slice %arg4[%mul3A_2, %dma_start3A_15] : memref<3136x256xf32, #tpu.memory_space<hbm>> -> memref<160x256xf32, #tpu.memory_space<hbm>>
        tpu.enqueue_dma source(%arg8 : memref<160x256xf32, #tpu.memory_space<vmem>>) target(%dma_start3A_16 : memref<160x256xf32, #tpu.memory_space<hbm>>) target_semaphore(%run_scoped3A : memref<!tpu.dma_semaphore, #tpu.memory_space<semaphore_mem>>)
        %dma_wait3A_17 = arith.constant 0 : i32
        %dma_wait3A_18 = tpu.memref_slice %arg4[%mul3A_2, %dma_wait3A_17] : memref<3136x256xf32, #tpu.memory_space<hbm>> -> memref<160x256xf32, #tpu.memory_space<hbm>>
        %dma_wait3A_19 = arith.constant 0 : i32
        %dma_wait3A_20 = tpu.memref_slice %arg4[%mul3A_2, %dma_wait3A_19] : memref<3136x256xf32, #tpu.memory_space<hbm>> -> memref<160x256xf32, #tpu.memory_space<hbm>>
        tpu.wait_dma2 semaphore(%run_scoped3A : memref<!tpu.dma_semaphore, #tpu.memory_space<semaphore_mem>>) src(%arg8 : memref<160x256xf32, #tpu.memory_space<vmem>>) dst(%dma_wait3A_20 : memref<160x256xf32, #tpu.memory_space<hbm>>)
        tpu.yield
      }) : () -> ()
    } else {
    }
    return
  }
}

module attributes {stable_mosaic.version = 14 : i64} {
  func.func @_mlp_body(%arg0: i32, %arg1: memref<49x16x256xf32, #tpu.memory_space<vmem>>, %arg2: memref<256x1024xf32, #tpu.memory_space<vmem>>, %arg3: memref<1x1024xf32, #tpu.memory_space<vmem>>, %arg4: memref<1024x768xf32, #tpu.memory_space<vmem>>, %arg5: memref<1x768xf32, #tpu.memory_space<vmem>>, %arg6: memref<49x16x768xf32, #tpu.memory_space<vmem>>, %arg7: memref<256x1024xbf16, #tpu.memory_space<vmem>>, %arg8: memref<1024x768xbf16, #tpu.memory_space<vmem>>) attributes {dimension_semantics = [#tpu.dimension_semantics<arbitrary>], iteration_bounds = array<i64: 4>, scalar_prefetch = 0 : i64, scratch_operands = 2 : i64, tpu.core_type = #tpu.core_type<tc>, window_params = [{transform_indices = @transform_0, window_bounds = array<i64: 49, 16, 256>}, {pipeline_mode = #tpu.pipeline_mode<synchronous>, transform_indices = @transform_1, window_bounds = array<i64: 256, 1024>}, {pipeline_mode = #tpu.pipeline_mode<synchronous>, transform_indices = @transform_2, window_bounds = array<i64: 1, 1024>}, {pipeline_mode = #tpu.pipeline_mode<synchronous>, transform_indices = @transform_3, window_bounds = array<i64: 1024, 768>}, {pipeline_mode = #tpu.pipeline_mode<synchronous>, transform_indices = @transform_4, window_bounds = array<i64: 1, 768>}, {transform_indices = @transform_5, window_bounds = array<i64: 49, 16, 768>}]} {
    %eq3A = arith.constant 0 : i32
    %eq3A_0 = arith.cmpi eq, %arg0, %eq3A : i32
    %convert_element_type3A = arith.extui %eq3A_0 : i1 to i32
    %cond3A = arith.constant 0 : i32
    %cond3A_1 = arith.cmpi ne, %convert_element_type3A, %cond3A : i32
    scf.if %cond3A_1 {
      %get3A_31 = arith.constant 0 : index
      %get3A_32 = arith.constant 0 : index
      %get3A_33 = vector.load %arg2[%get3A_31, %get3A_32] : memref<256x1024xf32, #tpu.memory_space<vmem>>, vector<256x1024xf32>
      %convert_element_type3A_34 = arith.truncf %get3A_33 : vector<256x1024xf32> to vector<256x1024xbf16>
      %swap3A_35 = arith.constant 0 : index
      %swap3A_36 = arith.constant 0 : index
      %swap3A_37 = vector.load %arg7[%swap3A_35, %swap3A_36] : memref<256x1024xbf16, #tpu.memory_space<vmem>>, vector<256x1024xbf16>
      tpu.vector_store %arg7[%swap3A_35, %swap3A_36], %convert_element_type3A_34 {strides = array<i32>} : memref<256x1024xbf16, #tpu.memory_space<vmem>>, vector<256x1024xbf16>,
      %get3A_38 = arith.constant 0 : index
      %get3A_39 = arith.constant 0 : index
      %get3A_40 = vector.load %arg4[%get3A_38, %get3A_39] : memref<1024x768xf32, #tpu.memory_space<vmem>>, vector<1024x768xf32>
      %convert_element_type3A_41 = arith.truncf %get3A_40 : vector<1024x768xf32> to vector<1024x768xbf16>
      %swap3A_42 = arith.constant 0 : index
      %swap3A_43 = arith.constant 0 : index
      %swap3A_44 = vector.load %arg8[%swap3A_42, %swap3A_43] : memref<1024x768xbf16, #tpu.memory_space<vmem>>, vector<1024x768xbf16>
      tpu.vector_store %arg8[%swap3A_42, %swap3A_43], %convert_element_type3A_41 {strides = array<i32>} : memref<1024x768xbf16, #tpu.memory_space<vmem>>, vector<1024x768xbf16>,
    } else {
    }
    %get3A = arith.constant 0 : index
    %get3A_2 = arith.constant 0 : index
    %get3A_3 = arith.constant 0 : index
    %get3A_4 = vector.load %arg1[%get3A, %get3A_2, %get3A_3] : memref<49x16x256xf32, #tpu.memory_space<vmem>>, vector<49x16x256xf32>
    %reshape3A = vector.shape_cast %get3A_4 : vector<49x16x256xf32> to vector<784x256xf32>
    %convert_element_type3A_5 = arith.truncf %reshape3A : vector<784x256xf32> to vector<784x256xbf16>
    %get3A_6 = arith.constant 0 : index
    %get3A_7 = arith.constant 0 : index
    %get3A_8 = vector.load %arg7[%get3A_6, %get3A_7] : memref<256x1024xbf16, #tpu.memory_space<vmem>>, vector<256x1024xbf16>
    %dot_general3A = arith.constant dense<0.000000e+00> : vector<784x1024xf32>
    %dot_general3A_9 = tpu.matmul %convert_element_type3A_5, %get3A_8, %dot_general3A {dimension_numbers = #tpu.dot_dimension_numbers<[1], [0], [0], [1], [0, 0, 1, 1], [], []>, transpose_lhs_hint = false} : vector<784x256xbf16>, vector<256x1024xbf16>, vector<784x1024xf32> -> vector<784x1024xf32>
    %get3A_10 = arith.constant 0 : index
    %get3A_11 = arith.constant 0 : index
    %get3A_12 = vector.load %arg3[%get3A_10, %get3A_11] : memref<1x1024xf32, #tpu.memory_space<vmem>>, vector<1x1024xf32>
    %add3A = vector.broadcast %get3A_12 : vector<1x1024xf32> to vector<784x1024xf32>
    %add3A_13 = arith.addf %dot_general3A_9, %add3A : vector<784x1024xf32>
    %mul3A = arith.constant 1.000000e-01 : f32
    %mul3A_14 = vector.broadcast %mul3A : f32 to vector<784x1024xf32>
    %mul3A_15 = arith.mulf %mul3A_14, %add3A_13 : vector<784x1024xf32>
    %max3A = arith.maximumf %add3A_13, %mul3A_15 : vector<784x1024xf32>
    %convert_element_type3A_16 = arith.truncf %max3A : vector<784x1024xf32> to vector<784x1024xbf16>
    %get3A_17 = arith.constant 0 : index
    %get3A_18 = arith.constant 0 : index
    %get3A_19 = vector.load %arg8[%get3A_17, %get3A_18] : memref<1024x768xbf16, #tpu.memory_space<vmem>>, vector<1024x768xbf16>
    %dot_general3A_20 = arith.constant dense<0.000000e+00> : vector<784x768xf32>
    %dot_general3A_21 = tpu.matmul %convert_element_type3A_16, %get3A_19, %dot_general3A_20 {dimension_numbers = #tpu.dot_dimension_numbers<[1], [0], [0], [1], [0, 0, 1, 1], [], []>, transpose_lhs_hint = false} : vector<784x1024xbf16>, vector<1024x768xbf16>, vector<784x768xf32> -> vector<784x768xf32>
    %get3A_22 = arith.constant 0 : index
    %get3A_23 = arith.constant 0 : index
    %get3A_24 = vector.load %arg5[%get3A_22, %get3A_23] : memref<1x768xf32, #tpu.memory_space<vmem>>, vector<1x768xf32>
    %add3A_25 = vector.broadcast %get3A_24 : vector<1x768xf32> to vector<784x768xf32>
    %add3A_26 = arith.addf %dot_general3A_21, %add3A_25 : vector<784x768xf32>
    %reshape3A_27 = vector.shape_cast %add3A_26 : vector<784x768xf32> to vector<49x16x768xf32>
    %swap3A = arith.constant 0 : index
    %swap3A_28 = arith.constant 0 : index
    %swap3A_29 = arith.constant 0 : index
    %swap3A_30 = vector.load %arg6[%swap3A, %swap3A_28, %swap3A_29] : memref<49x16x768xf32, #tpu.memory_space<vmem>>, vector<49x16x768xf32>
    tpu.vector_store %arg6[%swap3A, %swap3A_28, %swap3A_29], %reshape3A_27 {strides = array<i32>} : memref<49x16x768xf32, #tpu.memory_space<vmem>>, vector<49x16x768xf32>,
    return
  }
  func.func @transform_0(%arg0: i32) -> (i32, i32, i32) {
    %c0_i32 = arith.constant 0 : i32
    %c0_i32_0 = arith.constant 0 : i32
    %c0_i32_1 = arith.constant 0 : i32
    return %arg0, %c0_i32, %c0_i32_0 : i32, i32, i32
  }
  func.func @transform_1(%arg0: i32) -> (i32, i32) {
    %c0_i32 = arith.constant 0 : i32
    %c0_i32_0 = arith.constant 0 : i32
    %c0_i32_1 = arith.constant 0 : i32
    return %c0_i32, %c0_i32_0 : i32, i32
  }
  func.func @transform_2(%arg0: i32) -> (i32, i32) {
    %c0_i32 = arith.constant 0 : i32
    %c0_i32_0 = arith.constant 0 : i32
    %c0_i32_1 = arith.constant 0 : i32
    return %c0_i32, %c0_i32_0 : i32, i32
  }
  func.func @transform_3(%arg0: i32) -> (i32, i32) {
    %c0_i32 = arith.constant 0 : i32
    %c0_i32_0 = arith.constant 0 : i32
    %c0_i32_1 = arith.constant 0 : i32
    return %c0_i32, %c0_i32_0 : i32, i32
  }
  func.func @transform_4(%arg0: i32) -> (i32, i32) {
    %c0_i32 = arith.constant 0 : i32
    %c0_i32_0 = arith.constant 0 : i32
    %c0_i32_1 = arith.constant 0 : i32
    return %c0_i32, %c0_i32_0 : i32, i32
  }
  func.func @transform_5(%arg0: i32) -> (i32, i32, i32) {
    %c0_i32 = arith.constant 0 : i32
    %c0_i32_0 = arith.constant 0 : i32
    %c0_i32_1 = arith.constant 0 : i32
    return %arg0, %c0_i32, %c0_i32_0 : i32, i32, i32
  }
}

module attributes {stable_mosaic.version = 14 : i64} {
  func.func @_argmin_body(%arg0: i32, %arg1: memref<196x16x256xf32, #tpu.memory_space<vmem>>, %arg2: memref<1024x256xf32, #tpu.memory_space<vmem>>, %arg3: memref<3136xi32, #tpu.memory_space<vmem>>, %arg4: memref<256x1024xbf16, #tpu.memory_space<vmem>>, %arg5: memref<1x1024xf32, #tpu.memory_space<vmem>>) attributes {dimension_semantics = [#tpu.dimension_semantics<arbitrary>], iteration_bounds = array<i64: 1>, scalar_prefetch = 0 : i64, scratch_operands = 2 : i64, tpu.core_type = #tpu.core_type<tc>, window_params = [{pipeline_mode = #tpu.pipeline_mode<synchronous>, transform_indices = @transform_0, window_bounds = array<i64: 196, 16, 256>}, {pipeline_mode = #tpu.pipeline_mode<synchronous>, transform_indices = @transform_1, window_bounds = array<i64: 1024, 256>}, {pipeline_mode = #tpu.pipeline_mode<synchronous>, transform_indices = @transform_2, window_bounds = array<i64: 3136>}]} {
    %get3A = arith.constant 0 : index
    %get3A_0 = arith.constant 0 : index
    %get3A_1 = vector.load %arg2[%get3A, %get3A_0] : memref<1024x256xf32, #tpu.memory_space<vmem>>, vector<1024x256xf32>
    %transpose3A = tpu.transpose %get3A_1, [1, 0] : vector<1024x256xf32> -> vector<256x1024xf32>
    %convert_element_type3A = arith.truncf %transpose3A : vector<256x1024xf32> to vector<256x1024xbf16>
    %swap3A = arith.constant 0 : index
    %swap3A_2 = arith.constant 0 : index
    %swap3A_3 = vector.load %arg4[%swap3A, %swap3A_2] : memref<256x1024xbf16, #tpu.memory_space<vmem>>, vector<256x1024xbf16>
    tpu.vector_store %arg4[%swap3A, %swap3A_2], %convert_element_type3A {strides = array<i32>} : memref<256x1024xbf16, #tpu.memory_space<vmem>>, vector<256x1024xbf16>,
    %mul3A = arith.mulf %transpose3A, %transpose3A : vector<256x1024xf32>
    %reduce_sum3A = arith.constant dense<0.000000e+00> : vector<1024xf32>
    %reduce_sum3A_4 = vector.multi_reduction <add>, %mul3A, %reduce_sum3A [0] : vector<256x1024xf32> to vector<1024xf32>
    %broadcast_in_dim3A = vector.shape_cast %reduce_sum3A_4 : vector<1024xf32> to vector<1x1024xf32>
    %mul3A_5 = arith.constant 5.000000e-01 : f32
    %mul3A_6 = vector.broadcast %mul3A_5 : f32 to vector<1x1024xf32>
    %mul3A_7 = arith.mulf %mul3A_6, %broadcast_in_dim3A : vector<1x1024xf32>
    %swap3A_8 = arith.constant 0 : index
    %swap3A_9 = arith.constant 0 : index
    %swap3A_10 = vector.load %arg5[%swap3A_8, %swap3A_9] : memref<1x1024xf32, #tpu.memory_space<vmem>>, vector<1x1024xf32>
    tpu.vector_store %arg5[%swap3A_8, %swap3A_9], %mul3A_7 {strides = array<i32>} : memref<1x1024xf32, #tpu.memory_space<vmem>>, vector<1x1024xf32>,
    %get3A_11 = arith.constant 0 : index
    %get3A_12 = arith.constant 0 : index
    %get3A_13 = arith.constant 0 : index
    %get3A_14 = vector.load %arg1[%get3A_11, %get3A_12, %get3A_13] : memref<196x16x256xf32, #tpu.memory_space<vmem>>, vector<196x16x256xf32>
    %reshape3A = vector.shape_cast %get3A_14 : vector<196x16x256xf32> to vector<3136x256xf32>
    %slice3A = vector.extract_strided_slice %reshape3A {offsets = [0, 0], sizes = [784, 256], strides = [1, 1]} : vector<3136x256xf32> to vector<784x256xf32>
    %convert_element_type3A_15 = arith.truncf %slice3A : vector<784x256xf32> to vector<784x256xbf16>
    %get3A_16 = arith.constant 0 : index
    %get3A_17 = arith.constant 0 : index
    %get3A_18 = vector.load %arg4[%get3A_16, %get3A_17] : memref<256x1024xbf16, #tpu.memory_space<vmem>>, vector<256x1024xbf16>
    %dot_general3A = arith.constant dense<0.000000e+00> : vector<784x1024xf32>
    %dot_general3A_19 = tpu.matmul %convert_element_type3A_15, %get3A_18, %dot_general3A {dimension_numbers = #tpu.dot_dimension_numbers<[1], [0], [0], [1], [0, 0, 1, 1], [], []>, transpose_lhs_hint = false} : vector<784x256xbf16>, vector<256x1024xbf16>, vector<784x1024xf32> -> vector<784x1024xf32>
    %get3A_20 = arith.constant 0 : index
    %get3A_21 = arith.constant 0 : index
    %get3A_22 = vector.load %arg5[%get3A_20, %get3A_21] : memref<1x1024xf32, #tpu.memory_space<vmem>>, vector<1x1024xf32>
    %sub3A = vector.broadcast %get3A_22 : vector<1x1024xf32> to vector<784x1024xf32>
    %sub3A_23 = arith.subf %sub3A, %dot_general3A_19 : vector<784x1024xf32>
    %argmin3A = tpu.reduce_index %sub3A_23 {axis = 1 : i32, kind = #tpu.reduction_kind<arg_min>} : vector<784x1024xf32> -> vector<784xi32>
    %slice3A_24 = vector.extract_strided_slice %reshape3A {offsets = [784, 0], sizes = [784, 256], strides = [1, 1]} : vector<3136x256xf32> to vector<784x256xf32>
    %convert_element_type3A_25 = arith.truncf %slice3A_24 : vector<784x256xf32> to vector<784x256xbf16>
    %get3A_26 = arith.constant 0 : index
    %get3A_27 = arith.constant 0 : index
    %get3A_28 = vector.load %arg4[%get3A_26, %get3A_27] : memref<256x1024xbf16, #tpu.memory_space<vmem>>, vector<256x1024xbf16>
    %dot_general3A_29 = arith.constant dense<0.000000e+00> : vector<784x1024xf32>
    %dot_general3A_30 = tpu.matmul %convert_element_type3A_25, %get3A_28, %dot_general3A_29 {dimension_numbers = #tpu.dot_dimension_numbers<[1], [0], [0], [1], [0, 0, 1, 1], [], []>, transpose_lhs_hint = false} : vector<784x256xbf16>, vector<256x1024xbf16>, vector<784x1024xf32> -> vector<784x1024xf32>
    %get3A_31 = arith.constant 0 : index
    %get3A_32 = arith.constant 0 : index
    %get3A_33 = vector.load %arg5[%get3A_31, %get3A_32] : memref<1x1024xf32, #tpu.memory_space<vmem>>, vector<1x1024xf32>
    %sub3A_34 = vector.broadcast %get3A_33 : vector<1x1024xf32> to vector<784x1024xf32>
    %sub3A_35 = arith.subf %sub3A_34, %dot_general3A_30 : vector<784x1024xf32>
    %argmin3A_36 = tpu.reduce_index %sub3A_35 {axis = 1 : i32, kind = #tpu.reduction_kind<arg_min>} : vector<784x1024xf32> -> vector<784xi32>
    %slice3A_37 = vector.extract_strided_slice %reshape3A {offsets = [1568, 0], sizes = [784, 256], strides = [1, 1]} : vector<3136x256xf32> to vector<784x256xf32>
    %convert_element_type3A_38 = arith.truncf %slice3A_37 : vector<784x256xf32> to vector<784x256xbf16>
    %get3A_39 = arith.constant 0 : index
    %get3A_40 = arith.constant 0 : index
    %get3A_41 = vector.load %arg4[%get3A_39, %get3A_40] : memref<256x1024xbf16, #tpu.memory_space<vmem>>, vector<256x1024xbf16>
    %dot_general3A_42 = arith.constant dense<0.000000e+00> : vector<784x1024xf32>
    %dot_general3A_43 = tpu.matmul %convert_element_type3A_38, %get3A_41, %dot_general3A_42 {dimension_numbers = #tpu.dot_dimension_numbers<[1], [0], [0], [1], [0, 0, 1, 1], [], []>, transpose_lhs_hint = false} : vector<784x256xbf16>, vector<256x1024xbf16>, vector<784x1024xf32> -> vector<784x1024xf32>
    %get3A_44 = arith.constant 0 : index
    %get3A_45 = arith.constant 0 : index
    %get3A_46 = vector.load %arg5[%get3A_44, %get3A_45] : memref<1x1024xf32, #tpu.memory_space<vmem>>, vector<1x1024xf32>
    %sub3A_47 = vector.broadcast %get3A_46 : vector<1x1024xf32> to vector<784x1024xf32>
    %sub3A_48 = arith.subf %sub3A_47, %dot_general3A_43 : vector<784x1024xf32>
    %argmin3A_49 = tpu.reduce_index %sub3A_48 {axis = 1 : i32, kind = #tpu.reduction_kind<arg_min>} : vector<784x1024xf32> -> vector<784xi32>
    %slice3A_50 = vector.extract_strided_slice %reshape3A {offsets = [2352, 0], sizes = [784, 256], strides = [1, 1]} : vector<3136x256xf32> to vector<784x256xf32>
    %convert_element_type3A_51 = arith.truncf %slice3A_50 : vector<784x256xf32> to vector<784x256xbf16>
    %get3A_52 = arith.constant 0 : index
    %get3A_53 = arith.constant 0 : index
    %get3A_54 = vector.load %arg4[%get3A_52, %get3A_53] : memref<256x1024xbf16, #tpu.memory_space<vmem>>, vector<256x1024xbf16>
    %dot_general3A_55 = arith.constant dense<0.000000e+00> : vector<784x1024xf32>
    %dot_general3A_56 = tpu.matmul %convert_element_type3A_51, %get3A_54, %dot_general3A_55 {dimension_numbers = #tpu.dot_dimension_numbers<[1], [0], [0], [1], [0, 0, 1, 1], [], []>, transpose_lhs_hint = false} : vector<784x256xbf16>, vector<256x1024xbf16>, vector<784x1024xf32> -> vector<784x1024xf32>
    %get3A_57 = arith.constant 0 : index
    %get3A_58 = arith.constant 0 : index
    %get3A_59 = vector.load %arg5[%get3A_57, %get3A_58] : memref<1x1024xf32, #tpu.memory_space<vmem>>, vector<1x1024xf32>
    %sub3A_60 = vector.broadcast %get3A_59 : vector<1x1024xf32> to vector<784x1024xf32>
    %sub3A_61 = arith.subf %sub3A_60, %dot_general3A_56 : vector<784x1024xf32>
    %argmin3A_62 = tpu.reduce_index %sub3A_61 {axis = 1 : i32, kind = #tpu.reduction_kind<arg_min>} : vector<784x1024xf32> -> vector<784xi32>
    %concatenate3A = tpu.concatenate %argmin3A, %argmin3A_36, %argmin3A_49, %argmin3A_62 in 0 : vector<784xi32>, vector<784xi32>, vector<784xi32>, vector<784xi32> -> vector<3136xi32>
    %swap3A_63 = arith.constant 0 : index
    %swap3A_64 = vector.load %arg3[%swap3A_63] : memref<3136xi32, #tpu.memory_space<vmem>>, vector<3136xi32>
    tpu.vector_store %arg3[%swap3A_63], %concatenate3A {strides = array<i32>} : memref<3136xi32, #tpu.memory_space<vmem>>, vector<3136xi32>,
    return
  }
  func.func @transform_0(%arg0: i32) -> (i32, i32, i32) {
    %c0_i32 = arith.constant 0 : i32
    %c0_i32_0 = arith.constant 0 : i32
    %c0_i32_1 = arith.constant 0 : i32
    %c0_i32_2 = arith.constant 0 : i32
    return %c0_i32, %c0_i32_0, %c0_i32_1 : i32, i32, i32
  }
  func.func @transform_1(%arg0: i32) -> (i32, i32) {
    %c0_i32 = arith.constant 0 : i32
    %c0_i32_0 = arith.constant 0 : i32
    %c0_i32_1 = arith.constant 0 : i32
    return %c0_i32, %c0_i32_0 : i32, i32
  }
  func.func @transform_2(%arg0: i32) -> i32 {
    %c0_i32 = arith.constant 0 : i32
    %c0_i32_0 = arith.constant 0 : i32
    return %c0_i32 : i32
  }
}

</mosaic_0001>

<sc_bundles>
// kernel: kernel.5.cloned.1.call-start
scs
__scs_entry_jumppad:
0x0: {  	(pc) =	sbr.rel $0x88, $3  }
0x1: {  	(tag) =	ssettag $0x0;
	lr =	simm.s32 $0x1  }
0x2: {  	[smem:$0x3F9B] =	sst lr;
	_ =	strace $0xD0000000  }
0x3: {  	_ = 	snop  }
0x4: {  	_ = 	snop  }
0x5: {  	_ = 	snop  }
0x6: {  	_ = 	snop  }
0x7: {  	_ = 	snop  }
__scs_overlays_trampoline_lowered:
0x8: {  	[smem:$0x3FAA] =	sst s0  }
0x9: {  	[smem:$0x3FAB] =	sst s1  }
0xa: {  	[smem:$0x3FAC] =	sst s2  }
0xb: {  	[smem:$0x3FAD] =	sst s3  }
0xc: {  	[smem:$0x3FAE] =	sst s4  }
0xd: {  	[smem:$0x3FAF] =	sst s5  }
0xe: {  	[smem:$0x3FB0] =	sst s6  }
0xf: {  	[smem:$0x3FB1] =	sst s7  }
0x10: {  	[smem:$0x3FB2] =	sst s8  }
0x11: {  	[smem:$0x3FB3] =	sst s9;
	s0 =	simm.s32 @!p0 $0x0  }
0x12: {  	s1 =	sld [smem:$0x3F99];
	s0 =	simm.s32 @p0 $0x1  }
0x13: {  	[smem:$0x3FB4] =	sst s0;
	s0 =	simm.s32 @!p1 $0x0  }
0x14: {  	s2 =	sld [smem:$0x3F98];
	s0 =	simm.s32 @p1 $0x1  }
0x15: {  	[smem:$0x3FB5] =	sst s0;
	s0 =	simm.s32 @!p2 $0x0  }
0x16: {  	s3 =	sld [smem:$0x3FDB];
	s0 =	simm.s32 @p2 $0x1  }
0x17: {  	s4 =	simm.s32 $0x1BF5;
	[smem:$0x3FB7] =	sst s0  }
0x18: {  	s0 =	sld [smem:$0x3F9A];
	_ =	swait.ge [sflag:s4], $0x0  }
0x19: {  	s7 =	sld [smem:$0x3F9B]  }
0x1a: {  	s8 =	sadd.s32 $0xFFFFE003, lr  }
0x1b: {  	s9 =	sadd.s32 $0xFFFFFEF7, lr;
	s5 =	simm.s32 $0xFFFFFFFF;
	p2 =	slt.u32 s8, $0xFFFFF086  }
0x1c: {  	p1 =	slt.u32 s9, $0xF7A;
	s5 =	simm.s32 @!p2 $0x0  }
0x1d: {  	s5 =	simm.s32 @p1 $0x1;
	p0 =	seq.s32 s7, s2  }
0x1e: {  	s7 =	smul.u32 @!p0 $0xF7A, s2;
	p2 =	seq.s32 @!p0 s5, $0x0  }
0x1f: {  	s9 =	smul.u32 $0xF7A, s1;
	s8 =	simm.s32 @!p0 $0x1BF5;
	p2 =	por !p2, p0  }
0x20: {  	[sflag:s8] =	ssyncset.s32 @!p0 $0xFFFFF086;
	s6 =	sadd.s32 @!p0 s3, s7;
	s7 =	simm.s32 @!p0 $0x108  }
0x21: {  	s3 =	sadd.s32 s3, s9;
	s6 =	sadd.s32 @!p0 $0x88, s6;
	s7 =	simm.s32 @p2 $0x1082  }
0x22: {  	[simem:s7], [sflag:s8] =	dma.local @!p0 [hbm:s6], $0xF7A  }
0x23: {  	s9 =	sor.u32 $0xD0000000, s2;
	s6 =	simm.s32 $0x108;
	_ =	swait.ge @!p0 [sflag:s8], $0x0  }
0x24: {  	s3 =	sadd.s32 $0x88, s3;
	s6 =	simm.s32 @!p1 $0x1082;
	[sflag:s4] =	ssyncset.s32 $0xFFFFF086  }
0x25: {  	[simem:s6], [sflag:s4] =	dma.local [hbm:s3], $0xF7A  }
0x26: {  	[smem:$0x3F9B] =	sst s1;
	(tag) =	ssettag s2;
	_ =	strace s9  }
0x27: {  	s1 =	sld [smem:$0x3FAB]  }
0x28: {  	s2 =	sld [smem:$0x3FAC]  }
0x29: {  	s4 =	sld [smem:$0x3FAE]  }
0x2a: {  	p0 =	seq.s32 s5, $0x0;
	s5 =	sld [smem:$0x3FAF]  }
0x2b: {  	s6 =	sld [smem:$0x3FB0]  }
0x2c: {  	s7 =	sld [smem:$0x3FB1]  }
0x2d: {  	s3 =	simm.s32 $0x108;
	s8 =	sld [smem:$0x3FB2]  }
0x2e: {  	s3 =	simm.s32 @!p0 $0x1082;
	s9 =	sld [smem:$0x3FB3]  }
0x2f: {  	lr =	sadd.s32 s0, s3;
	s0 =	sld [smem:$0x3FAA]  }
0x30: {  	s3 =	sld [smem:$0x3FAD]  }
0x31: {  	[smem:$0x3FB6] =	sst s10  }
0x32: {  	s10 =	sld [smem:$0x3FB4];
	_ =	sdelay $0x3  }
0x33: {  	p0 =	seq.s32 s10, $0x1;
	s10 =	sld [smem:$0x3FB6];
	_ =	sdelay $0x3  }
0x34: {  	[smem:$0x3FB6] =	sst s10  }
0x35: {  	s10 =	sld [smem:$0x3FB5];
	_ =	sdelay $0x3  }
0x36: {  	p1 =	seq.s32 s10, $0x1;
	s10 =	sld [smem:$0x3FB6];
	_ =	sdelay $0x3  }
0x37: {  	[smem:$0x3FB6] =	sst s10  }
0x38: {  	s10 =	sld [smem:$0x3FB7]  }
0x39: {  	_ = 	snop;
	(pc) =	sbr.ind lr, $3  }
0x3a: {  	_ = 	snop  }
0x3b: {  	_ = 	snop  }
0x3c: {  	p2 =	seq.s32 s10, $0x1;
	s10 =	sld [smem:$0x3FB6]  }
0x3d: {  	_ =	shalt  }
0x3e: {  	_ =	shalt  }
0x3f: {  	_ =	shalt  }
0x40: {  	_ =	shalt  }
0x41: {  	_ =	shalt  }
0x42: {  	_ =	shalt  }
0x43: {  	_ =	shalt  }
0x44: {  	_ =	shalt  }
0x45: {  	_ =	shalt  }
0x46: {  	_ =	shalt  }
0x47: {  	_ =	shalt  }
0x48: {  	_ =	shalt  }
0x49: {  	_ =	shalt  }
0x4a: {  	_ =	shalt  }
0x4b: {  	_ =	shalt  }
0x4c: {  	_ =	shalt  }
0x4d: {  	_ =	shalt  }
0x4e: {  	_ =	shalt  }
0x4f: {  	_ =	shalt  }
0x50: {  	_ =	shalt  }
0x51: {  	_ =	shalt  }
0x52: {  	_ =	shalt  }
0x53: {  	_ =	shalt  }
0x54: {  	_ =	shalt  }
0x55: {  	_ =	shalt  }
0x56: {  	_ =	shalt  }
0x57: {  	_ =	shalt  }
0x58: {  	_ =	shalt  }
0x59: {  	_ =	shalt  }
0x5a: {  	_ =	shalt  }
0x5b: {  	_ =	shalt  }
0x5c: {  	_ =	shalt  }
0x5d: {  	_ =	shalt  }
0x5e: {  	_ =	shalt  }
0x5f: {  	_ =	shalt  }
0x60: {  	_ =	shalt  }
0x61: {  	_ =	shalt  }
0x62: {  	_ =	shalt  }
0x63: {  	_ =	shalt  }
0x64: {  	_ =	shalt  }
0x65: {  	_ =	shalt  }
0x66: {  	_ =	shalt  }
0x67: {  	_ =	shalt  }
0x68: {  	_ =	shalt  }
0x69: {  	_ =	shalt  }
0x6a: {  	_ =	shalt  }
0x6b: {  	_ =	shalt  }
0x6c: {  	_ =	shalt  }
0x6d: {  	_ =	shalt  }
0x6e: {  	_ =	shalt  }
0x6f: {  	_ =	shalt  }
0x70: {  	_ =	shalt  }
0x71: {  	_ =	shalt  }
0x72: {  	_ =	shalt  }
0x73: {  	_ =	shalt  }
0x74: {  	_ =	shalt  }
0x75: {  	_ =	shalt  }
0x76: {  	_ =	shalt  }
0x77: {  	_ =	shalt  }
0x78: {  	_ =	shalt  }
0x79: {  	_ =	shalt  }
0x7a: {  	_ =	shalt  }
0x7b: {  	_ =	shalt  }
0x7c: {  	_ =	shalt  }
0x7d: {  	_ =	shalt  }
0x7e: {  	_ =	shalt  }
0x7f: {  	_ =	shalt  }
0x80: {  	_ =	shalt  }
0x81: {  	_ =	shalt  }
0x82: {  	_ =	shalt  }
0x83: {  	_ =	shalt  }
0x84: {  	_ =	shalt  }
0x85: {  	_ =	shalt  }
0x86: {  	_ =	shalt  }
0x87: {  	_ =	shalt  }
.Lfunc_end0:
.L_simem_size_0:
called_computation_lowered:
.L_overlay_start_0:
0x88: {  	s2 =	sld [smem:$0x3FD9]  }
0x89: {  	s3 =	sld [smem:$0x3FFE];
	_ =	sdelay $0x1  }
0x8a: {  	s1 =	srdreg.scid  }
0x8b: {  	s0 =	sand.u32 $0x1, s1  }
0x8c: {  	s15 =	sshll.u32 s0, $0xA;
	s2 =	sadd.s32 s3, s2  }
0x8d: {  	s2 =	sadd.s32 s2, s15  }
0x8e: {  	[smem:$0x3FC2] =	sst s2  }
0x8f: {  	_ = 	snop  }
0x90: {  	s2 =	sld [smem:$0x3FD0];
	_ =	sdelay $0x2  }
0x91: {  	s4 =	simm.s32 $0xA;
	s5 =	simm.s32 $0x10;
	s16 =	sld [smem:$0x3FC8]  }
0x92: {  	[smem:s5], [sflag:s4] =	dma.local [hbm:s2], $0x1  }
0x93: {  	_ =	swait.eq [sflag:s4], $0x1  }
0x94: {  	[sflag:s4] =	ssyncset.done $0x0  }
0x95: {  	s17 =	sld [smem:$0x11];
	[sflag:s4] =	ssyncadd.s32 $0xFFFFFFFF  }
0x96: {  	s18 =	sld [smem:$0x12];
	(tm) =	ssettm $0x1  }
0x97: {  	s19 =	sld [smem:$0x3FFB];
	_ =	sdelay $0x3  }
0x98: {  	_ =	strace s19  }
0x99: {  	s5 =	sld [smem:$0x3FFC];
	_ =	sdelay $0x3  }
0x9a: {  	_ =	strace s5  }
0x9b: {  	s5 =	sld [smem:$0x3FFD];
	_ =	sdelay $0x3  }
0x9c: {  	_ =	strace s5  }
0x9d: {  	_ =	strace $0x8FFFFFFF  }
0x9e: {  	s20 =	sld [smem:$0x3FDB];
	_ =	sdelay $0x1  }
0x9f: {  	s6 =	simm.s32 $_scs_section_size  }
0xa0: {  	s7 =	simm.s32 $_size__tile_overlayer_lowered;
	s8 =	simm.s32 $_tile_overlayer_lowered  }
0xa1: {  	s23 =	simm.s32 $0x1BFF;
	s22 =	sshll.u32 s8, $0x1;
	s5 =	sadd.s32 s6, s20  }
0xa2: {  	s9 =	simm.s32 $0x0;
	s21 =	sshll.u32 s7, $0x1;
	s7 =	sadd.s32 s22, s5  }
0xa3: {  	[timem:s9], [sflag:s23] =	dma.local [hbm:s7], s21  }
0xa4: {  	_ =	swait.ge [sflag:s23], s21  }
0xa5: {  	s6 =	ssub.s32 $0x0, s21;
	[sflag:s23] =	ssyncset.done $0x0  }
0xa6: {  	[sflag:s23] =	ssyncadd.s32 s6;
	_ =	sdelay $0x1  }
0xa7: {  	s24 =	simm.s32 $0x1B8B  }
0xa8: {  	_ =	swait.ge [sflag:s24], $0x1  }
0xa9: {  	[sflag:s24] =	ssyncset.done $0x0  }
0xaa: {  	s25 =	simm.s32 $0x1B8E;
	[sflag:s24] =	ssyncadd.s32 $0xFFFFFFFF  }
0xab: {  	s26 =	simm.s32 $execute0_lowered;
	[smem:$0x3FD2] =	sst s25  }
0xac: {  	s6 =	sshll.u32 s26, $0x1;
	_ =	strace $0x80000046;
	[dreg:$0x1] =	wrdreg $0xFFFFFFFF  }
0xad: {  	s28 =	simm.s32 $_size_execute0_lowered;
	s5 =	sadd.s32 s5, s6;
	[dreg:$0x0] =	wrdreg $0x0  }
0xae: {  	s6 =	sshll.u32 s28, $0x1;
	[dreg:$0x2] =	wrdreg s5  }
0xaf: {  	[dreg:$0x3] =	wrdreg s6  }
0xb0: {  	[dreg:$0x4] =	wrdreg $0xC0  }
0xb1: {  	_ =	task [dreg:s9], $0x5FFFF  }
0xb2: {  	[dreg:$0x1] =	wrdreg $0xFFFFFFFF  }
0xb3: {  	[dreg:$0x0] =	wrdreg $0x60  }
0xb4: {  	[dreg:$0x2] =	wrdreg s16  }
0xb5: {  	[dreg:$0x3] =	wrdreg s17  }
0xb6: {  	[dreg:$0x4] =	wrdreg s18  }
0xb7: {  	[dreg:$0x5] =	wrdreg $0x9  }
0xb8: {  	_ =	task.clear_ibuf [dreg:s9], $0x6FFFF;
	_ =	strace $0x90000046  }
0xb9: {  	s29 =	simm.s32 $0x9;
	_ =	strace $0x80000048  }
0xba: {  	_ =	swait.ge [sflag:s29], $0x1  }
0xbb: {  	[sflag:s29] =	ssyncadd.s32 $0xFFFFFFFF  }
0xbc: {  	_ =	strace $0x90000048  }
0xbd: {  	_ =	sfence  }
0xbe: {  	s30 =	sld [smem:$0x0];
	_ =	sdelay $0x2  }
0xbf: {  	s31 =	sshll.u32 s1, $0xD;
	s1 =	sshrl.u32 s1, $0x2  }
0xc0: {  	s3 =	sand.u32 $0x4000, s31;
	s1 =	sadd.s32 s1, s30  }
0xc1: {  	s0 =	sor.u32 s3, s0;
	s1 =	sshll.u32 s1, $0x11  }
0xc2: {  	s0 =	sor.u32 s1, s0  }
0xc3: {  	s0 =	sadd.s32 $0x8F2B, s0  }
0xc4: {  	[sflag:s0] =	ssyncadd.remote.s32 $0x1  }
0xc5: {  	_ =	sfence.sel $0xFFFF  }
0xc6: {  	[dreg:$0x0] =	wrdreg $0xFFFFFFFF;
	(pc) =	sbr.abs _section_cstart, $3  }
0xc7: {  	[dreg:$0x1] =	wrdreg $0xFFFFFFFF  }
0xc8: {  	_ =	task.clear_ibuf [dreg:s9], $0x2FFFF;
	_ =	strace $0x9FFFFFFF  }
0xc9: {  	(tm) =	ssettm $0x7FFFFFFF  }
tec
execute0_lowered:
.L_overlay_start_1:
0x0: {  	(tag) =	ssettag $0x1  }
0x1: {  	s1 =	rddreg [dreg:$0x0];
	s0 =	srdreg.scid  }
0x2: {  	s3 =	stileid.u32;
	s2 =	rddreg [dreg:$0x1]  }
0x3: {  	s7 =	rddreg [dreg:$0x2];
	s10 =	simm.s32 $0x2;
	s11 =	simm.s32 $0x6180  }
0x4: {  	s23 =	simm.s32 $0xC180;
	s24 =	simm.s32 $0xC980;
	s25 =	simm.s32 $0xD180  }
0x5: {  	s26 =	simm.s32 $0xD980;
	s28 =	simm.s32 $0xE180;
	s29 =	simm.s32 $0xE980  }
0x6: {  	s30 =	simm.s32 $0xF180;
	s31 =	simm.s32 $0xF980;
	s12 =	simm.s32 $0x1080  }
0x7: {  	s13 =	simm.s32 $0x1880;
	s14 =	simm.s32 $0x2080;
	s15 =	simm.s32 $0x2880  }
0x8: {  	s16 =	simm.s32 $0x3080;
	s0 =	sand.u32 $0x1, s0;
	s3 =	sshll.u32 s3, $0x1  }
0x9: {  	s17 =	simm.s32 $0x3880;
	s18 =	simm.s32 $0x4080;
	s9 =	sor.u32 s0, s3  }
0xa: {  	s19 =	simm.s32 $0x4880;
	s20 =	simm.s32 $0x5080;
	s4 =	smul.u32 $0xC, s9  }
0xb: {  	s21 =	simm.s32 $0x5880;
	s3 =	simm.s32 $0x0;
	s5 =	smul.u32 $0xC00, s9  }
.Ltmp0:
0xc: {  	s0 =	ssub.s32 $0x2, s0;
	[smem:$0x7FF] =	sst s3;
	(pc) =	sbr.rel .LBB2_1-.Ltmp0, $4  }
0xd: {  	s6 =	sshrl.u32 s0, $0x1;
	p0 =	seq.s32 s9, $0x1F;
	s9 =	simm.s32 $0x880  }
0xe: {  	v2 =	vlaneseq.u32;
	_ =	strace $0x80000047;
	s0 =	ssub.s32 s0, s6;
	s6 =	sadd.s32 $0x174, s2  }
0xf: {  	vm0 =	vmmov $0xffff;
	v1 =	vshrl.u32 v2, $0x3;
	s4 =	sadd.s32 s2, s4;
	s5 =	sadd.s32 s7, s5;
	s7 =	sadd.s32 $0x17400, s7  }
0x10: {  	v0 =	vand.u32 $0x7, v2;
	v2 =	vor.u32 $0x8, v2;
	v1 =	vmul.u32 $0x8, v1;
	s8 =	smax.u32 s0, $0x1;
	s2 =	simm.s32 $0x1;
	s0 =	simm.s32 $0x80  }
.LBB2_3:
0x11: {  	s22 =	simm.s32 $0x6080  }
0x12: {  	[tilespmem:s22], [sflag:$0x2] =	stream.linear.gather [hbm4b:s6+s3], $0xA0, $0x38;
	[tilespmem:$0x10180] =	vst v63  }
0x13: {  	_ =	swait.ge [sflag:s10], $0xA0  }
0x14: {  	[sflag:s10] =	ssyncset.done $0x0  }
0x15: {  	[sflag:s10] =	ssyncadd.s32 $0xFFFFFF60  }
0x16: {  	v3 =	vld [tilespmem:$0x6080];
	_ =	sdelay $0x4  }
0x17: {  	v4 =	vshll.u32 v3, $0x1  }
0x18: {  	v3 =	vand.u32 $0x7, v3;
	v4 =	vand.u32 $0xFFFFFFF0, v4  }
0x19: {  	v3 =	vor.u32 v3, v4  }
0x1a: {  	v4 =	vperm.xlane v3, v0;
	_ =	sdelay $0x1  }
0x1b: {  	v3 =	vperm.xlane v3, v2;
	v4 =	vadd.s32 v1, v4;
	_ =	sdelay $0x1  }
0x1c: {  	v3 =	vadd.s32 v1, v3;
	_ =	sdelay $0x2  }
0x1d: {  	[tilespmem:s11], [sflag:$0x1] =	stream.indirect_vreg.gather [hbm4b:s1+s3], $0x80, v4, vm0, $0xb8;
	[tilespmem:$0x10180] =	vst v63  }
0x1e: {  	s22 =	simm.s32 $0x6980  }
0x1f: {  	[tilespmem:s22], [sflag:$0x1] =	stream.indirect_vreg.gather [hbm4b:s1+s3], $0x80, v3, vm0, $0xb8;
	[tilespmem:$0x10180] =	vst v63  }
0x20: {  	v3 =	vld [tilespmem:$0x6090];
	_ =	sdelay $0x4  }
0x21: {  	v55 =	vshll.u32 v3, $0x1  }
0x22: {  	v3 =	vand.u32 $0x7, v3;
	v4 =	vand.u32 $0xFFFFFFF0, v55  }
0x23: {  	v3 =	vor.u32 v3, v4  }
0x24: {  	v4 =	vperm.xlane v3, v0;
	_ =	sdelay $0x1  }
0x25: {  	v3 =	vperm.xlane v3, v2;
	v4 =	vadd.s32 v1, v4;
	_ =	sdelay $0x1  }
0x26: {  	v3 =	vadd.s32 v1, v3;
	_ =	sdelay $0x1  }
0x27: {  	s22 =	simm.s32 $0x7180  }
0x28: {  	[tilespmem:s22], [sflag:$0x1] =	stream.indirect_vreg.gather [hbm4b:s1+s3], $0x80, v4, vm0, $0xb8;
	[tilespmem:$0x10180] =	vst v63  }
0x29: {  	s22 =	simm.s32 $0x7980  }
0x2a: {  	[tilespmem:s22], [sflag:$0x1] =	stream.indirect_vreg.gather [hbm4b:s1+s3], $0x80, v3, vm0, $0xb8;
	[tilespmem:$0x10180] =	vst v63  }
0x2b: {  	v3 =	vld [tilespmem:$0x60A0];
	_ =	sdelay $0x4  }
0x2c: {  	v56 =	vshll.u32 v3, $0x1  }
0x2d: {  	v3 =	vand.u32 $0x7, v3;
	v4 =	vand.u32 $0xFFFFFFF0, v56  }
0x2e: {  	v3 =	vor.u32 v3, v4  }
0x2f: {  	v4 =	vperm.xlane v3, v0;
	_ =	sdelay $0x1  }
0x30: {  	v3 =	vperm.xlane v3, v2;
	v4 =	vadd.s32 v1, v4;
	_ =	sdelay $0x1  }
0x31: {  	v3 =	vadd.s32 v1, v3;
	_ =	sdelay $0x1  }
0x32: {  	s22 =	simm.s32 $0x8180  }
0x33: {  	[tilespmem:s22], [sflag:$0x1] =	stream.indirect_vreg.gather [hbm4b:s1+s3], $0x80, v4, vm0, $0xb8;
	[tilespmem:$0x10180] =	vst v63  }
0x34: {  	s22 =	simm.s32 $0x8980  }
0x35: {  	[tilespmem:s22], [sflag:$0x1] =	stream.indirect_vreg.gather [hbm4b:s1+s3], $0x80, v3, vm0, $0xb8;
	[tilespmem:$0x10180] =	vst v63  }
0x36: {  	v3 =	vld [tilespmem:$0x60B0];
	_ =	sdelay $0x4  }
0x37: {  	v57 =	vshll.u32 v3, $0x1  }
0x38: {  	v3 =	vand.u32 $0x7, v3;
	v4 =	vand.u32 $0xFFFFFFF0, v57  }
0x39: {  	v3 =	vor.u32 v3, v4  }
0x3a: {  	v4 =	vperm.xlane v3, v0;
	_ =	sdelay $0x1  }
0x3b: {  	v3 =	vperm.xlane v3, v2;
	v4 =	vadd.s32 v1, v4;
	_ =	sdelay $0x1  }
0x3c: {  	v3 =	vadd.s32 v1, v3;
	_ =	sdelay $0x1  }
0x3d: {  	s22 =	simm.s32 $0x9180  }
0x3e: {  	[tilespmem:s22], [sflag:$0x1] =	stream.indirect_vreg.gather [hbm4b:s1+s3], $0x80, v4, vm0, $0xb8;
	[tilespmem:$0x10180] =	vst v63  }
0x3f: {  	s22 =	simm.s32 $0x9980  }
0x40: {  	[tilespmem:s22], [sflag:$0x1] =	stream.indirect_vreg.gather [hbm4b:s1+s3], $0x80, v3, vm0, $0xb8;
	[tilespmem:$0x10180] =	vst v63  }
0x41: {  	v3 =	vld [tilespmem:$0x60C0];
	_ =	sdelay $0x4  }
0x42: {  	v58 =	vshll.u32 v3, $0x1  }
0x43: {  	v3 =	vand.u32 $0x7, v3;
	v4 =	vand.u32 $0xFFFFFFF0, v58  }
0x44: {  	v3 =	vor.u32 v3, v4  }
0x45: {  	v4 =	vperm.xlane v3, v0;
	_ =	sdelay $0x1  }
0x46: {  	v3 =	vperm.xlane v3, v2;
	v4 =	vadd.s32 v1, v4;
	_ =	sdelay $0x1  }
0x47: {  	v3 =	vadd.s32 v1, v3;
	_ =	sdelay $0x1  }
0x48: {  	s22 =	simm.s32 $0xA180  }
0x49: {  	[tilespmem:s22], [sflag:$0x1] =	stream.indirect_vreg.gather [hbm4b:s1+s3], $0x80, v4, vm0, $0xb8;
	[tilespmem:$0x10180] =	vst v63  }
0x4a: {  	s22 =	simm.s32 $0xA980  }
0x4b: {  	[tilespmem:s22], [sflag:$0x1] =	stream.indirect_vreg.gather [hbm4b:s1+s3], $0x80, v3, vm0, $0xb8;
	[tilespmem:$0x10180] =	vst v63  }
0x4c: {  	v3 =	vld [tilespmem:$0x60D0];
	_ =	sdelay $0x4  }
0x4d: {  	v59 =	vshll.u32 v3, $0x1  }
0x4e: {  	v3 =	vand.u32 $0x7, v3;
	v4 =	vand.u32 $0xFFFFFFF0, v59  }
0x4f: {  	v3 =	vor.u32 v3, v4  }
0x50: {  	v4 =	vperm.xlane v3, v0;
	_ =	sdelay $0x1  }
0x51: {  	v3 =	vperm.xlane v3, v2;
	v4 =	vadd.s32 v1, v4;
	_ =	sdelay $0x1  }
0x52: {  	v3 =	vadd.s32 v1, v3;
	_ =	sdelay $0x1  }
0x53: {  	s22 =	simm.s32 $0xB180  }
0x54: {  	[tilespmem:s22], [sflag:$0x1] =	stream.indirect_vreg.gather [hbm4b:s1+s3], $0x80, v4, vm0, $0xb8;
	[tilespmem:$0x10180] =	vst v63  }
0x55: {  	s22 =	simm.s32 $0xB980  }
0x56: {  	[tilespmem:s22], [sflag:$0x1] =	stream.indirect_vreg.gather [hbm4b:s1+s3], $0x80, v3, vm0, $0xb8;
	[tilespmem:$0x10180] =	vst v63  }
0x57: {  	v3 =	vld [tilespmem:$0x60E0];
	_ =	sdelay $0x4  }
0x58: {  	v60 =	vshll.u32 v3, $0x1  }
0x59: {  	v3 =	vand.u32 $0x7, v3;
	v4 =	vand.u32 $0xFFFFFFF0, v60  }
0x5a: {  	v3 =	vor.u32 v3, v4  }
0x5b: {  	v4 =	vperm.xlane v3, v0;
	_ =	sdelay $0x1  }
0x5c: {  	v3 =	vperm.xlane v3, v2;
	v4 =	vadd.s32 v1, v4;
	_ =	sdelay $0x1  }
0x5d: {  	v3 =	vadd.s32 v1, v3;
	_ =	sdelay $0x2  }
0x5e: {  	[tilespmem:s23], [sflag:$0x1] =	stream.indirect_vreg.gather [hbm4b:s1+s3], $0x80, v4, vm0, $0xb8;
	[tilespmem:$0x10180] =	vst v63  }
0x5f: {  	_ = 	snop  }
0x60: {  	[tilespmem:s24], [sflag:$0x1] =	stream.indirect_vreg.gather [hbm4b:s1+s3], $0x80, v3, vm0, $0xb8;
	[tilespmem:$0x10180] =	vst v63  }
0x61: {  	v3 =	vld [tilespmem:$0x60F0];
	_ =	sdelay $0x4  }
0x62: {  	v61 =	vshll.u32 v3, $0x1  }
0x63: {  	v3 =	vand.u32 $0x7, v3;
	v4 =	vand.u32 $0xFFFFFFF0, v61  }
0x64: {  	v3 =	vor.u32 v3, v4  }
0x65: {  	v4 =	vperm.xlane v3, v0;
	_ =	sdelay $0x1  }
0x66: {  	v3 =	vperm.xlane v3, v2;
	v4 =	vadd.s32 v1, v4;
	_ =	sdelay $0x1  }
0x67: {  	v3 =	vadd.s32 v1, v3;
	_ =	sdelay $0x2  }
0x68: {  	[tilespmem:s25], [sflag:$0x1] =	stream.indirect_vreg.gather [hbm4b:s1+s3], $0x80, v4, vm0, $0xb8;
	[tilespmem:$0x10180] =	vst v63  }
0x69: {  	_ = 	snop  }
0x6a: {  	[tilespmem:s26], [sflag:$0x1] =	stream.indirect_vreg.gather [hbm4b:s1+s3], $0x80, v3, vm0, $0xb8;
	[tilespmem:$0x10180] =	vst v63  }
0x6b: {  	v3 =	vld [tilespmem:$0x6100];
	_ =	sdelay $0x4  }
0x6c: {  	v62 =	vshll.u32 v3, $0x1  }
0x6d: {  	v3 =	vand.u32 $0x7, v3;
	v4 =	vand.u32 $0xFFFFFFF0, v62  }
0x6e: {  	v3 =	vor.u32 v3, v4  }
0x6f: {  	v4 =	vperm.xlane v3, v0;
	_ =	sdelay $0x1  }
0x70: {  	v3 =	vperm.xlane v3, v2;
	v4 =	vadd.s32 v1, v4;
	_ =	sdelay $0x1  }
0x71: {  	v3 =	vadd.s32 v1, v3;
	_ =	sdelay $0x2  }
0x72: {  	[tilespmem:s28], [sflag:$0x1] =	stream.indirect_vreg.gather [hbm4b:s1+s3], $0x80, v4, vm0, $0xb8;
	[tilespmem:$0x10180] =	vst v63  }
0x73: {  	_ = 	snop  }
0x74: {  	[tilespmem:s29], [sflag:$0x1] =	stream.indirect_vreg.gather [hbm4b:s1+s3], $0x80, v3, vm0, $0xb8;
	[tilespmem:$0x10180] =	vst v63  }
0x75: {  	v3 =	vld [tilespmem:$0x6110];
	_ =	sdelay $0x4  }
0x76: {  	v63 =	vshll.u32 v3, $0x1  }
0x77: {  	v3 =	vand.u32 $0x7, v3;
	v4 =	vand.u32 $0xFFFFFFF0, v63  }
0x78: {  	v3 =	vor.u32 v3, v4  }
0x79: {  	v4 =	vperm.xlane v3, v0;
	_ =	sdelay $0x1  }
0x7a: {  	v3 =	vperm.xlane v3, v2;
	v4 =	vadd.s32 v1, v4;
	_ =	sdelay $0x1  }
0x7b: {  	v3 =	vadd.s32 v1, v3;
	_ =	sdelay $0x2  }
0x7c: {  	[tilespmem:s30], [sflag:$0x1] =	stream.indirect_vreg.gather [hbm4b:s1+s3], $0x80, v4, vm0, $0xb8;
	[tilespmem:$0x10180] =	vst v63  }
0x7d: {  	_ = 	snop  }
0x7e: {  	[tilespmem:s31], [sflag:$0x1] =	stream.indirect_vreg.gather [hbm4b:s1+s3], $0x80, v3, vm0, $0xb8;
	[tilespmem:$0x10180] =	vst v63  }
0x7f: {  	_ =	swait.ge [sflag:s2], $0xA000  }
0x80: {  	[sflag:s2] =	ssyncset.done $0x0  }
0x81: {  	[sflag:s2] =	ssyncadd.s32 $0xFFFF6000  }
0x82: {  	[hbm4b:s7+s3] =	stream.linear.scatter [tilespmem:s11], [sflag:$0x2], $0xA000, $0x38;
	[tilespmem:$0x10180] =	vst v63  }
0x83: {  	_ =	swait.ge [sflag:s10], $0xA000  }
0x84: {  	[sflag:s10] =	ssyncset.done $0x0  }
0x85: {  	[sflag:s10] =	ssyncadd.s32 $0xFFFF6000  }
.LBB2_4:
0x86: {  	s8 =	sadd.s32 $0xFFFFFFFF, s8  }
0x87: {  	p1 =	sne.s32 s8, $0x0  }
.Ltmp1:
0x88: {  	_ = 	snop;
	(pc) =	sbr.rel @!p1 .LBB2_5-.Ltmp1, $1  }
0x89: {  	_ =	sdelay $0x3  }
.LBB2_1:
.Ltmp2:
0x8a: {  	(pc) =	sbr.rel @p0 .LBB2_3-.Ltmp2, $1  }
0x8b: {  	_ =	sdelay $0x3  }
0x8c: {  	[tilespmem:s3], [sflag:$0x2] =	stream.linear.gather [hbm4b:s4+s3], $0x60, $0x38;
	[tilespmem:$0x10180] =	vst v63  }
0x8d: {  	_ =	swait.ge [sflag:s10], $0x60  }
0x8e: {  	[sflag:s10] =	ssyncset.done $0x0  }
0x8f: {  	[sflag:s10] =	ssyncadd.s32 $0xFFFFFFA0  }
0x90: {  	v3 =	vld [tilespmem:$0x0];
	_ =	sdelay $0x4  }
0x91: {  	v4 =	vshll.u32 v3, $0x1  }
0x92: {  	v3 =	vand.u32 $0x7, v3;
	v4 =	vand.u32 $0xFFFFFFF0, v4  }
0x93: {  	v3 =	vor.u32 v3, v4  }
0x94: {  	v4 =	vperm.xlane v3, v0;
	_ =	sdelay $0x1  }
0x95: {  	v3 =	vperm.xlane v3, v2;
	v4 =	vadd.s32 v1, v4;
	_ =	sdelay $0x1  }
0x96: {  	v3 =	vadd.s32 v1, v3;
	_ =	sdelay $0x2  }
0x97: {  	[tilespmem:s0], [sflag:$0x1] =	stream.indirect_vreg.gather [hbm4b:s1+s3], $0x80, v4, vm0, $0xb8;
	[tilespmem:$0x10180] =	vst v63  }
0x98: {  	_ = 	snop  }
0x99: {  	[tilespmem:s9], [sflag:$0x1] =	stream.indirect_vreg.gather [hbm4b:s1+s3], $0x80, v3, vm0, $0xb8;
	[tilespmem:$0x10180] =	vst v63  }
0x9a: {  	v3 =	vld [tilespmem:$0x10];
	_ =	sdelay $0x4  }
0x9b: {  	v59 =	vshll.u32 v3, $0x1  }
0x9c: {  	v3 =	vand.u32 $0x7, v3;
	v4 =	vand.u32 $0xFFFFFFF0, v59  }
0x9d: {  	v3 =	vor.u32 v3, v4  }
0x9e: {  	v4 =	vperm.xlane v3, v0;
	_ =	sdelay $0x1  }
0x9f: {  	v3 =	vperm.xlane v3, v2;
	v4 =	vadd.s32 v1, v4;
	_ =	sdelay $0x1  }
0xa0: {  	v3 =	vadd.s32 v1, v3;
	_ =	sdelay $0x2  }
0xa1: {  	[tilespmem:s12], [sflag:$0x1] =	stream.indirect_vreg.gather [hbm4b:s1+s3], $0x80, v4, vm0, $0xb8;
	[tilespmem:$0x10180] =	vst v63  }
0xa2: {  	_ = 	snop  }
0xa3: {  	[tilespmem:s13], [sflag:$0x1] =	stream.indirect_vreg.gather [hbm4b:s1+s3], $0x80, v3, vm0, $0xb8;
	[tilespmem:$0x10180] =	vst v63  }
0xa4: {  	v3 =	vld [tilespmem:$0x20];
	_ =	sdelay $0x4  }
0xa5: {  	v60 =	vshll.u32 v3, $0x1  }
0xa6: {  	v3 =	vand.u32 $0x7, v3;
	v4 =	vand.u32 $0xFFFFFFF0, v60  }
0xa7: {  	v3 =	vor.u32 v3, v4  }
0xa8: {  	v4 =	vperm.xlane v3, v0;
	_ =	sdelay $0x1  }
0xa9: {  	v3 =	vperm.xlane v3, v2;
	v4 =	vadd.s32 v1, v4;
	_ =	sdelay $0x1  }
0xaa: {  	v3 =	vadd.s32 v1, v3;
	_ =	sdelay $0x2  }
0xab: {  	[tilespmem:s14], [sflag:$0x1] =	stream.indirect_vreg.gather [hbm4b:s1+s3], $0x80, v4, vm0, $0xb8;
	[tilespmem:$0x10180] =	vst v63  }
0xac: {  	_ = 	snop  }
0xad: {  	[tilespmem:s15], [sflag:$0x1] =	stream.indirect_vreg.gather [hbm4b:s1+s3], $0x80, v3, vm0, $0xb8;
	[tilespmem:$0x10180] =	vst v63  }
0xae: {  	v3 =	vld [tilespmem:$0x30];
	_ =	sdelay $0x4  }
0xaf: {  	v61 =	vshll.u32 v3, $0x1  }
0xb0: {  	v3 =	vand.u32 $0x7, v3;
	v4 =	vand.u32 $0xFFFFFFF0, v61  }
0xb1: {  	v3 =	vor.u32 v3, v4  }
0xb2: {  	v4 =	vperm.xlane v3, v0;
	_ =	sdelay $0x1  }
0xb3: {  	v3 =	vperm.xlane v3, v2;
	v4 =	vadd.s32 v1, v4;
	_ =	sdelay $0x1  }
0xb4: {  	v3 =	vadd.s32 v1, v3;
	_ =	sdelay $0x2  }
0xb5: {  	[tilespmem:s16], [sflag:$0x1] =	stream.indirect_vreg.gather [hbm4b:s1+s3], $0x80, v4, vm0, $0xb8;
	[tilespmem:$0x10180] =	vst v63  }
0xb6: {  	_ = 	snop  }
0xb7: {  	[tilespmem:s17], [sflag:$0x1] =	stream.indirect_vreg.gather [hbm4b:s1+s3], $0x80, v3, vm0, $0xb8;
	[tilespmem:$0x10180] =	vst v63  }
0xb8: {  	v3 =	vld [tilespmem:$0x40];
	_ =	sdelay $0x4  }
0xb9: {  	v62 =	vshll.u32 v3, $0x1  }
0xba: {  	v3 =	vand.u32 $0x7, v3;
	v4 =	vand.u32 $0xFFFFFFF0, v62  }
0xbb: {  	v3 =	vor.u32 v3, v4  }
0xbc: {  	v4 =	vperm.xlane v3, v0;
	_ =	sdelay $0x1  }
0xbd: {  	v3 =	vperm.xlane v3, v2;
	v4 =	vadd.s32 v1, v4;
	_ =	sdelay $0x1  }
0xbe: {  	v3 =	vadd.s32 v1, v3;
	_ =	sdelay $0x2  }
0xbf: {  	[tilespmem:s18], [sflag:$0x1] =	stream.indirect_vreg.gather [hbm4b:s1+s3], $0x80, v4, vm0, $0xb8;
	[tilespmem:$0x10180] =	vst v63  }
0xc0: {  	_ = 	snop  }
0xc1: {  	[tilespmem:s19], [sflag:$0x1] =	stream.indirect_vreg.gather [hbm4b:s1+s3], $0x80, v3, vm0, $0xb8;
	[tilespmem:$0x10180] =	vst v63  }
0xc2: {  	v3 =	vld [tilespmem:$0x50];
	_ =	sdelay $0x4  }
0xc3: {  	v63 =	vshll.u32 v3, $0x1  }
0xc4: {  	v3 =	vand.u32 $0x7, v3;
	v4 =	vand.u32 $0xFFFFFFF0, v63  }
0xc5: {  	v3 =	vor.u32 v3, v4  }
0xc6: {  	v4 =	vperm.xlane v3, v0;
	_ =	sdelay $0x1  }
0xc7: {  	v3 =	vperm.xlane v3, v2;
	v4 =	vadd.s32 v1, v4;
	_ =	sdelay $0x1  }
0xc8: {  	v3 =	vadd.s32 v1, v3;
	_ =	sdelay $0x2  }
0xc9: {  	[tilespmem:s20], [sflag:$0x1] =	stream.indirect_vreg.gather [hbm4b:s1+s3], $0x80, v4, vm0, $0xb8;
	[tilespmem:$0x10180] =	vst v63  }
0xca: {  	_ = 	snop  }
0xcb: {  	[tilespmem:s21], [sflag:$0x1] =	stream.indirect_vreg.gather [hbm4b:s1+s3], $0x80, v3, vm0, $0xb8;
	[tilespmem:$0x10180] =	vst v63  }
0xcc: {  	_ =	swait.ge [sflag:s2], $0x6000  }
0xcd: {  	[sflag:s2] =	ssyncset.done $0x0  }
.Ltmp3:
0xce: {  	[sflag:s2] =	ssyncadd.s32 $0xFFFFA000;
	(pc) =	sbr.rel .LBB2_4-.Ltmp3, $4  }
0xcf: {  	[hbm4b:s5+s3] =	stream.linear.scatter [tilespmem:s0], [sflag:$0x2], $0x6000, $0x38;
	[tilespmem:$0x10180] =	vst v63  }
0xd0: {  	_ =	swait.ge [sflag:s10], $0x6000  }
0xd1: {  	[sflag:s10] =	ssyncset.done $0x0  }
0xd2: {  	[sflag:s10] =	ssyncadd.s32 $0xFFFFA000  }
.LBB2_5:
0xd3: {  	_ =	sfence.sel $0x180000  }
0xd4: {  	[bflag:$0x0] =	sbarrier.arrive $0xFFFF  }
0xd5: {  	_ =	strace $0x90000047  }
0xd6: {  	s0 =	stileid.u32;
	[bflag:$0x2] =	sbarrier.arrive $0xFFFF  }
0xd7: {  	p0 =	sne.s32 s0, $0x0;
	s0 =	rddreg [dreg:$0x3]  }
0xd8: {  	s0 =	sadd.s32 @!p0 $0x100000, s0  }
0xd9: {  	[sflag:s0] =	ssyncadd.tile.s32 @!p0 $0x1;
	_ =	shalt  }
.Lfunc_end2:
_tile_overlayer_lowered:
.L_overlay_start_2:
0xda: {  	(tag) =	ssettag $0x2  }
0xdb: {  	s0 =	rddreg [dreg:$0x0];
	s2 =	stileid.u32  }
0xdc: {  	s1 =	rddreg [dreg:$0x1];
	p0 =	sne.s32 s2, $0x0  }
0xdd: {  	s3 =	rddreg [dreg:$0x2];
	[bflag:$0x3] =	sbarrier.arrive $0xFFFF;
	s2 =	simm.s32 @!p0 $0x1C02  }
0xde: {  	[timem:s3], [sflag:s2] =	dma.local @!p0 [hbm:s0], s1  }
0xdf: {  	s0 =	simm.s32 @!p0 $0x2  }
0xe0: {  	_ =	swait.ge @!p0 [sflag:s0], s1  }
0xe1: {  	s1 =	ssub.s32 @!p0 $0x0, s1;
	[sflag:s0] =	ssyncset.done @!p0 $0x0  }
0xe2: {  	[sflag:s0] =	ssyncadd.s32 @!p0 s1  }
0xe3: {  	[bflag:$0x3] =	sbarrier.arrive $0xFFFF  }
0xe4: {  	_ =	shalt  }

</sc_bundles>
